<compile_context>
chip_gen: v7x
topology: tpu7x:2x2x1
jax: 0.10.2.dev20260603
libtpu: 0.0.44.dev20260713+nightly
codegen_flags: <defaults>
</compile_context>

<pallas_src>
import functools

import jax
import jax.numpy as jnp
from jax import lax
from jax.experimental import pallas as pl
from jax.experimental.pallas import tpu as pltpu
from jax.experimental.pallas import tpu_sc as plsc

VOCAB = 100000
EMB = 300
EMBP = 304
HID = 512
OUT = 100
B = 64
S = 512
PAD = 8
TOK = B * S

NC = 2
NS = 16
NW = NC * NS
ROWS_PER_W = TOK // NW
G_CHUNK = 128


def _sc_gather_body(table_hbm, idx_hbm, out_hbm, idx_v, rows_v, sem):
    wid = lax.axis_index("s") * NC + lax.axis_index("c")
    base = wid * ROWS_PER_W

    def chunk(i, carry):
        off = base + i * G_CHUNK
        pltpu.sync_copy(idx_hbm.at[pl.ds(off, G_CHUNK)], idx_v)
        pltpu.async_copy(table_hbm.at[idx_v], rows_v, sem).wait()
        pltpu.sync_copy(rows_v, out_hbm.at[pl.ds(off, G_CHUNK)])
        return carry

    lax.fori_loop(0, ROWS_PER_W // G_CHUNK, chunk, 0)


def _sc_gather(table, idx_flat):
    f = pl.kernel(
        _sc_gather_body,
        out_type=jax.ShapeDtypeStruct((TOK, EMBP), jnp.float32),
        mesh=plsc.VectorSubcoreMesh(core_axis_name="c", subcore_axis_name="s"),
        scratch_types=[
            pltpu.VMEM((G_CHUNK,), jnp.int32),
            pltpu.VMEM((G_CHUNK, EMBP), jnp.float32),
            pltpu.SemaphoreType.DMA,
        ],
        compiler_params=pltpu.CompilerParams(use_tc_tiling_on_sc=False),
    )
    return f(table, idx_flat)


RB = 2


def _conv_body(x_ref, wa_ref, wb_ref, wc_ref, bias_ref, out_ref):
    M = RB * S
    x = x_ref[...].reshape(M, EMBP)
    xp = jnp.concatenate(
        [x, jnp.zeros((PAD, EMBP), dtype=x.dtype)], axis=0
    )

    ya = jnp.zeros((M, 3 * HID), dtype=jnp.float32)
    for j in range(3):
        ya = ya + jnp.dot(xp[j:j + M, :], wa_ref[j],
                          preferred_element_type=jnp.float32)
    yb = jnp.zeros((M, 2 * HID), dtype=jnp.float32)
    for j in range(3, 5):
        yb = yb + jnp.dot(xp[j:j + M, :], wb_ref[j - 3],
                          preferred_element_type=jnp.float32)
    yc = jnp.zeros((M, HID), dtype=jnp.float32)
    for j in range(5, 7):
        yc = yc + jnp.dot(xp[j:j + M, :], wc_ref[j - 5],
                          preferred_element_type=jnp.float32)

    bias = bias_ref[0]
    y3 = ya[:, :HID] + bias[:HID]
    y5 = ya[:, HID:2 * HID] + yb[:, :HID] + bias[HID:2 * HID]
    y7 = ya[:, 2 * HID:] + yb[:, HID:] + yc + bias[2 * HID:]

    t = lax.broadcasted_iota(jnp.int32, (M, 1), 0) % S
    m3 = jnp.max(jnp.where(t <= S - 3, jax.nn.relu(y3), 0.0)
                 .reshape(RB, S, HID), axis=1)
    m5 = jnp.max(jnp.where(t <= S - 5, jax.nn.relu(y5), 0.0)
                 .reshape(RB, S, HID), axis=1)
    m7 = jnp.max(jnp.where(t <= S - 7, jax.nn.relu(y7), 0.0)
                 .reshape(RB, S, HID), axis=1)
    out_ref[:, 0, :] = jnp.concatenate([m3, m5, m7], axis=1)


def _conv_doc(xg, wa, wb, wc, bias):
    return pl.pallas_call(
        _conv_body,
        grid=(B // RB,),
        in_specs=[
            pl.BlockSpec((RB, S, EMBP), lambda i: (i, 0, 0)),
            pl.BlockSpec((3, EMBP, 3 * HID), lambda i: (0, 0, 0)),
            pl.BlockSpec((2, EMBP, 2 * HID), lambda i: (0, 0, 0)),
            pl.BlockSpec((2, EMBP, HID), lambda i: (0, 0, 0)),
            pl.BlockSpec((1, 3 * HID), lambda i: (0, 0)),
        ],
        out_specs=pl.BlockSpec((RB, 1, 3 * HID), lambda i: (i, 0, 0)),
        out_shape=jax.ShapeDtypeStruct((B, 1, 3 * HID), jnp.float32),
    )(xg, wa, wb, wc, bias).reshape(B, 3 * HID)


def _linear_body(doc_ref, w_ref, b_ref, out_ref):
    out_ref[...] = (
        jnp.dot(doc_ref[...], w_ref[...], preferred_element_type=jnp.float32)
        + b_ref[0]
    )


def _linear(doc, wt, bias):
    return pl.pallas_call(
        _linear_body,
        out_shape=jax.ShapeDtypeStruct((B, OUT), jnp.float32),
    )(doc, wt, bias)


def kernel(input, emb, W3, b3, W5, b5, W7, b7, label_W, label_b):
    idx_flat = input.reshape(TOK)

    p3 = jnp.transpose(W3[:, 0, :, :], (1, 2, 0))
    p5 = jnp.transpose(W5[:, 0, :, :], (1, 2, 0))
    p7 = jnp.transpose(W7[:, 0, :, :], (1, 2, 0))
    wa = jnp.concatenate([p3[:3], p5[:3], p7[:3]], axis=2)
    wb = jnp.concatenate([p5[3:5], p7[3:5]], axis=2)
    wc = p7[5:7]
    zpad = ((0, 0), (0, EMBP - EMB), (0, 0))
    wa, wb, wc = jnp.pad(wa, zpad), jnp.pad(wb, zpad), jnp.pad(wc, zpad)
    bias = jnp.concatenate([b3, b5, b7])[None, :]

    embp = jnp.pad(emb, ((0, 0), (0, EMBP - EMB)))
    xg = _sc_gather(embp, idx_flat).reshape(B, S, EMBP)
    doc = _conv_doc(
        xg.astype(jnp.bfloat16),
        wa.astype(jnp.bfloat16),
        wb.astype(jnp.bfloat16),
        wc.astype(jnp.bfloat16),
        bias,
    )
    return _linear(doc, label_W.T, label_b[None, :])

# --- scband reference (transcript-rebuilt; emitter-appended) ---
"""Pipeline reference for scband-neural-classifier-35003983462931 (READ-ONLY COPY).

The authoritative reference and input builder live on the scoring server;
editing this copy changes nothing except your own understanding.
"""

import jax, jax.numpy as jnp
import numpy as np

VOCAB = 100000
EMB = 300
HID = 512
OUT = 100
B = 64
S = 512
KERNELS = (3, 5, 7)


def setup_inputs(seed: int = 0) -> dict:
    key = jax.random.key(seed)
    ks = jax.random.split(key, 12)
    inp = {}
    inp["input"] = jax.random.randint(ks[0], (B, S), 0, VOCAB, dtype=jnp.int32)
    # learnable embedding table (pretrained=None, so embed dim == learnable_length)
    inp["emb"] = jax.random.normal(ks[1], (VOCAB, EMB), dtype=jnp.float32) * 0.02
    # Kim-CNN conv kernels: (out_channels=HID, in_channels=1, k, EMB)
    inp["W3"] = jax.random.normal(ks[2], (HID, 1, 3, EMB), dtype=jnp.float32) * 0.02
    inp["b3"] = jnp.zeros((HID,), dtype=jnp.float32)
    inp["W5"] = jax.random.normal(ks[3], (HID, 1, 5, EMB), dtype=jnp.float32) * 0.02
    inp["b5"] = jnp.zeros((HID,), dtype=jnp.float32)
    inp["W7"] = jax.random.normal(ks[4], (HID, 1, 7, EMB), dtype=jnp.float32) * 0.02
    inp["b7"] = jnp.zeros((HID,), dtype=jnp.float32)
    # final label linear: doc_emb dim = len(KERNELS)*HID -> OUT
    inp["label_W"] = jax.random.normal(ks[5], (OUT, len(KERNELS) * HID), dtype=jnp.float32) * 0.02
    inp["label_b"] = jnp.zeros((OUT,), dtype=jnp.float32)
    return inp


def _conv_block(x, W, b):
    # x: [B, 1, S, E]; W: [C, 1, k, E] -> conv 'VALID' -> [B, C, S-k+1, 1]
    y = jax.lax.conv_general_dilated(
        x, W, window_strides=(1, 1), padding='VALID',
        dimension_numbers=('NCHW', 'OIHW', 'NCHW'))
    y = y + b[None, :, None, None]
    y = jax.nn.relu(y[..., 0])          # squeeze(3) then relu -> [B, C, L]
    return jnp.max(y, axis=2)           # max_pool1d over full length -> [B, C]


def reference(input, emb, W3, b3, W5, b5, W7, b7, label_W, label_b):
    # EmbeddingCustom: learnable embedding lookup (dropout is identity in eval / prop=0)
    word_emb = jnp.take(emb, input, axis=0)        # [B, S, EMB]
    x = word_emb[:, None, :, :]                    # unsqueeze(1) -> [B, 1, S, EMB]
    m1 = _conv_block(x, W3, b3)
    m2 = _conv_block(x, W5, b5)
    m3 = _conv_block(x, W7, b7)
    doc_emb = jnp.concatenate([m1, m2, m3], axis=1)  # [B, 3*HID]
    logits = doc_emb @ label_W.T + label_b           # [B, OUT]
    return logits

if __name__ == "__main__":
    import jax
    _d = setup_inputs()
    print(jax.jit(kernel)(*tuple(_d.values())))

</pallas_src>

<mosaic_0001>
#map = affine_map<(d0, d1) -> (0, 0)>
#map1 = affine_map<(d0, d1) -> (0)>
module attributes {stable_mosaic.version = 14 : i64} {
  func.func @_sc_gather_body(%arg0: i32, %arg1: i32, %arg2: memref<100000x304xf32, #tpu.memory_space<hbm>>, %arg3: memref<32768xi32, #tpu.memory_space<hbm>>, %arg4: memref<32768x304xf32, #tpu.memory_space<hbm>>, %arg5: memref<128xi32, #tpu.memory_space<vmem>>, %arg6: memref<128x304xf32, #tpu.memory_space<vmem>>, %arg7: memref<!tpu.dma_semaphore, #tpu.memory_space<semaphore_mem>>) attributes {dimension_semantics = [#tpu.dimension_semantics<core_parallel>, #tpu.dimension_semantics<subcore_parallel>], iteration_bounds = array<i64: 2, 16>, scalar_prefetch = 0 : i64, scratch_operands = 3 : i64, tpu.core_type = #tpu.core_type<sc_vector_subcore>, window_params = [{transform_indices = #map}, {transform_indices = #map1}, {transform_indices = #map}]} {
    %mul3A = arith.constant 2 : i32
    %mul3A_0 = arith.muli %arg1, %mul3A : i32
    %add3A = arith.addi %mul3A_0, %arg0 : i32
    %mul3A_1 = arith.constant 1024 : i32
    %mul3A_2 = arith.muli %add3A, %mul3A_1 : i32
    %scan3A = arith.constant 0 : i32
    %scan3A_3 = arith.constant 0 : i32
    %scan3A_4 = arith.constant 8 : i32
    %scan3A_5 = arith.addi %scan3A_3, %scan3A_4 : i32
    %scan3A_6 = arith.constant 1 : i32
    scf.for %scan3A_8 = %scan3A_3 to %scan3A_5 step %scan3A_6  : i32 {
      %mul3A_9 = arith.constant 128 : i32
      %mul3A_10 = arith.muli %scan3A_8, %mul3A_9 : i32
      %add3A_11 = arith.addi %mul3A_2, %mul3A_10 : i32
      "tpu.region"() ({
        %run_scoped3A = tpu.sem_alloc : memref<!tpu.dma_semaphore, #tpu.memory_space<semaphore_mem>>
        %dma_start3A_16 = tpu.memref_slice %arg3[%add3A_11] : memref<32768xi32, #tpu.memory_space<hbm>> -> memref<128xi32, #tpu.memory_space<hbm>>
        %dma_start3A_17 = tpu.memref_slice %arg3[%add3A_11] : memref<32768xi32, #tpu.memory_space<hbm>> -> memref<128xi32, #tpu.memory_space<hbm>>
        tpu.enqueue_dma source(%dma_start3A_17 : memref<128xi32, #tpu.memory_space<hbm>>) target(%arg5 : memref<128xi32, #tpu.memory_space<vmem>>) target_semaphore(%run_scoped3A : memref<!tpu.dma_semaphore, #tpu.memory_space<semaphore_mem>>)
        %dma_wait3A_18 = tpu.memref_slice %arg3[%add3A_11] : memref<32768xi32, #tpu.memory_space<hbm>> -> memref<128xi32, #tpu.memory_space<hbm>>
        %dma_wait3A_19 = tpu.memref_slice %arg3[%add3A_11] : memref<32768xi32, #tpu.memory_space<hbm>> -> memref<128xi32, #tpu.memory_space<hbm>>
        tpu.wait_dma2 semaphore(%run_scoped3A : memref<!tpu.dma_semaphore, #tpu.memory_space<semaphore_mem>>) src(%dma_wait3A_19 : memref<128xi32, #tpu.memory_space<hbm>>) dst(%arg5 : memref<128xi32, #tpu.memory_space<vmem>>)
        tpu.yield
      }) : () -> ()
      %dma_start3A = arith.constant 0 : i32
      %dma_start3A_12 = arith.constant 0 : i32
      %dma_start3A_13 = tpu.memref_slice %arg2[%dma_start3A, %dma_start3A_12] : memref<100000x304xf32, #tpu.memory_space<hbm>> -> memref<100000x304xf32, #tpu.memory_space<hbm>>
      tpu.enqueue_indirect_dma source(%dma_start3A_13 : memref<100000x304xf32, #tpu.memory_space<hbm>>) target(%arg6 : memref<128x304xf32, #tpu.memory_space<vmem>>) offsets(%arg5 : memref<128xi32, #tpu.memory_space<vmem>>) semaphore(%arg7 : memref<!tpu.dma_semaphore, #tpu.memory_space<semaphore_mem>>)
      %dma_wait3A = arith.constant 0 : i32
      %dma_wait3A_14 = arith.constant 0 : i32
      %dma_wait3A_15 = tpu.memref_slice %arg2[%dma_wait3A, %dma_wait3A_14] : memref<100000x304xf32, #tpu.memory_space<hbm>> -> memref<100000x304xf32, #tpu.memory_space<hbm>>
      tpu.wait_indirect_dma semaphore(%arg7 : memref<!tpu.dma_semaphore, #tpu.memory_space<semaphore_mem>>) src(%dma_wait3A_15 : memref<100000x304xf32, #tpu.memory_space<hbm>>) dst(%arg6 : memref<128x304xf32, #tpu.memory_space<vmem>>)
      "tpu.region"() ({
        %run_scoped3A = tpu.sem_alloc : memref<!tpu.dma_semaphore, #tpu.memory_space<semaphore_mem>>
        %dma_start3A_16 = arith.constant 0 : i32
        %dma_start3A_17 = tpu.memref_slice %arg4[%add3A_11, %dma_start3A_16] : memref<32768x304xf32, #tpu.memory_space<hbm>> -> memref<128x304xf32, #tpu.memory_space<hbm>>
        %dma_start3A_18 = arith.constant 0 : i32
        %dma_start3A_19 = tpu.memref_slice %arg4[%add3A_11, %dma_start3A_18] : memref<32768x304xf32, #tpu.memory_space<hbm>> -> memref<128x304xf32, #tpu.memory_space<hbm>>
        tpu.enqueue_dma source(%arg6 : memref<128x304xf32, #tpu.memory_space<vmem>>) target(%dma_start3A_19 : memref<128x304xf32, #tpu.memory_space<hbm>>) target_semaphore(%run_scoped3A : memref<!tpu.dma_semaphore, #tpu.memory_space<semaphore_mem>>)
        %dma_wait3A_20 = arith.constant 0 : i32
        %dma_wait3A_21 = tpu.memref_slice %arg4[%add3A_11, %dma_wait3A_20] : memref<32768x304xf32, #tpu.memory_space<hbm>> -> memref<128x304xf32, #tpu.memory_space<hbm>>
        %dma_wait3A_22 = arith.constant 0 : i32
        %dma_wait3A_23 = tpu.memref_slice %arg4[%add3A_11, %dma_wait3A_22] : memref<32768x304xf32, #tpu.memory_space<hbm>> -> memref<128x304xf32, #tpu.memory_space<hbm>>
        tpu.wait_dma2 semaphore(%run_scoped3A : memref<!tpu.dma_semaphore, #tpu.memory_space<semaphore_mem>>) src(%arg6 : memref<128x304xf32, #tpu.memory_space<vmem>>) dst(%dma_wait3A_23 : memref<128x304xf32, #tpu.memory_space<hbm>>)
        tpu.yield
      }) : () -> ()
    }
    %scan3A_7 = arith.constant 8 : i32
    return
  }
}

module attributes {stable_mosaic.version = 14 : i64} {
  func.func @_conv_body(%arg0: i32, %arg1: memref<2x512x304xbf16, #tpu.memory_space<vmem>>, %arg2: memref<3x304x1536xbf16, #tpu.memory_space<vmem>>, %arg3: memref<2x304x1024xbf16, #tpu.memory_space<vmem>>, %arg4: memref<2x304x512xbf16, #tpu.memory_space<vmem>>, %arg5: memref<1x1536xf32, #tpu.memory_space<vmem>>, %arg6: memref<2x1x1536xf32, #tpu.memory_space<vmem>>) attributes {dimension_semantics = [#tpu.dimension_semantics<arbitrary>], iteration_bounds = array<i64: 32>, scalar_prefetch = 0 : i64, scratch_operands = 0 : i64, tpu.core_type = #tpu.core_type<tc>, window_params = [{transform_indices = @transform_0, window_bounds = array<i64: 2, 512, 304>}, {pipeline_mode = #tpu.pipeline_mode<synchronous>, transform_indices = @transform_1, window_bounds = array<i64: 3, 304, 1536>}, {pipeline_mode = #tpu.pipeline_mode<synchronous>, transform_indices = @transform_2, window_bounds = array<i64: 2, 304, 1024>}, {pipeline_mode = #tpu.pipeline_mode<synchronous>, transform_indices = @transform_3, window_bounds = array<i64: 2, 304, 512>}, {pipeline_mode = #tpu.pipeline_mode<synchronous>, transform_indices = @transform_4, window_bounds = array<i64: 1, 1536>}, {transform_indices = @transform_5, window_bounds = array<i64: 2, 1, 1536>}]} {
    %get3A = arith.constant 0 : index
    %get3A_0 = arith.constant 0 : index
    %get3A_1 = arith.constant 0 : index
    %get3A_2 = vector.load %arg1[%get3A, %get3A_0, %get3A_1] : memref<2x512x304xbf16, #tpu.memory_space<vmem>>, vector<2x512x304xbf16>
    %reshape3A = vector.shape_cast %get3A_2 : vector<2x512x304xbf16> to vector<1024x304xbf16>
    %broadcast_in_dim3A = arith.constant 0.000000e+00 : bf16
    %broadcast_in_dim3A_3 = vector.broadcast %broadcast_in_dim3A : bf16 to vector<8x304xbf16>
    %concatenate3A = tpu.concatenate %reshape3A, %broadcast_in_dim3A_3 in 0 : vector<1024x304xbf16>, vector<8x304xbf16> -> vector<1032x304xbf16>
    %broadcast_in_dim3A_4 = arith.constant 0.000000e+00 : f32
    %broadcast_in_dim3A_5 = vector.broadcast %broadcast_in_dim3A_4 : f32 to vector<1024x1536xf32>
    %slice3A = vector.extract_strided_slice %concatenate3A {offsets = [0, 0], sizes = [1024, 304], strides = [1, 1]} : vector<1032x304xbf16> to vector<1024x304xbf16>
    %get3A_6 = arith.constant 0 : index
    %get3A_7 = arith.constant 0 : index
    %get3A_8 = arith.constant 0 : index
    %get3A_9 = vector.load %arg2[%get3A_6, %get3A_7, %get3A_8] : memref<3x304x1536xbf16, #tpu.memory_space<vmem>>, vector<1x304x1536xbf16>
    %get3A_10 = vector.shape_cast %get3A_9 : vector<1x304x1536xbf16> to vector<304x1536xbf16>
    %dot_general3A = arith.constant dense<0.000000e+00> : vector<1024x1536xf32>
    %dot_general3A_11 = tpu.matmul %slice3A, %get3A_10, %dot_general3A {dimension_numbers = #tpu.dot_dimension_numbers<[1], [0], [0], [1], [0, 0, 1, 1], [], []>, transpose_lhs_hint = false} : vector<1024x304xbf16>, vector<304x1536xbf16>, vector<1024x1536xf32> -> vector<1024x1536xf32>
    %add3A = arith.addf %broadcast_in_dim3A_5, %dot_general3A_11 : vector<1024x1536xf32>
    %slice3A_12 = vector.extract_strided_slice %concatenate3A {offsets = [1, 0], sizes = [1024, 304], strides = [1, 1]} : vector<1032x304xbf16> to vector<1024x304xbf16>
    %get3A_13 = arith.constant 1 : index
    %get3A_14 = arith.constant 0 : index
    %get3A_15 = arith.constant 0 : index
    %get3A_16 = vector.load %arg2[%get3A_13, %get3A_14, %get3A_15] : memref<3x304x1536xbf16, #tpu.memory_space<vmem>>, vector<1x304x1536xbf16>
    %get3A_17 = vector.shape_cast %get3A_16 : vector<1x304x1536xbf16> to vector<304x1536xbf16>
    %dot_general3A_18 = arith.constant dense<0.000000e+00> : vector<1024x1536xf32>
    %dot_general3A_19 = tpu.matmul %slice3A_12, %get3A_17, %dot_general3A_18 {dimension_numbers = #tpu.dot_dimension_numbers<[1], [0], [0], [1], [0, 0, 1, 1], [], []>, transpose_lhs_hint = false} : vector<1024x304xbf16>, vector<304x1536xbf16>, vector<1024x1536xf32> -> vector<1024x1536xf32>
    %add3A_20 = arith.addf %add3A, %dot_general3A_19 : vector<1024x1536xf32>
    %slice3A_21 = vector.extract_strided_slice %concatenate3A {offsets = [2, 0], sizes = [1024, 304], strides = [1, 1]} : vector<1032x304xbf16> to vector<1024x304xbf16>
    %get3A_22 = arith.constant 2 : index
    %get3A_23 = arith.constant 0 : index
    %get3A_24 = arith.constant 0 : index
    %get3A_25 = vector.load %arg2[%get3A_22, %get3A_23, %get3A_24] : memref<3x304x1536xbf16, #tpu.memory_space<vmem>>, vector<1x304x1536xbf16>
    %get3A_26 = vector.shape_cast %get3A_25 : vector<1x304x1536xbf16> to vector<304x1536xbf16>
    %dot_general3A_27 = arith.constant dense<0.000000e+00> : vector<1024x1536xf32>
    %dot_general3A_28 = tpu.matmul %slice3A_21, %get3A_26, %dot_general3A_27 {dimension_numbers = #tpu.dot_dimension_numbers<[1], [0], [0], [1], [0, 0, 1, 1], [], []>, transpose_lhs_hint = false} : vector<1024x304xbf16>, vector<304x1536xbf16>, vector<1024x1536xf32> -> vector<1024x1536xf32>
    %add3A_29 = arith.addf %add3A_20, %dot_general3A_28 : vector<1024x1536xf32>
    %broadcast_in_dim3A_30 = arith.constant 0.000000e+00 : f32
    %broadcast_in_dim3A_31 = vector.broadcast %broadcast_in_dim3A_30 : f32 to vector<1024x1024xf32>
    %slice3A_32 = vector.extract_strided_slice %concatenate3A {offsets = [3, 0], sizes = [1024, 304], strides = [1, 1]} : vector<1032x304xbf16> to vector<1024x304xbf16>
    %get3A_33 = arith.constant 0 : index
    %get3A_34 = arith.constant 0 : index
    %get3A_35 = arith.constant 0 : index
    %get3A_36 = vector.load %arg3[%get3A_33, %get3A_34, %get3A_35] : memref<2x304x1024xbf16, #tpu.memory_space<vmem>>, vector<1x304x1024xbf16>
    %get3A_37 = vector.shape_cast %get3A_36 : vector<1x304x1024xbf16> to vector<304x1024xbf16>
    %dot_general3A_38 = arith.constant dense<0.000000e+00> : vector<1024x1024xf32>
    %dot_general3A_39 = tpu.matmul %slice3A_32, %get3A_37, %dot_general3A_38 {dimension_numbers = #tpu.dot_dimension_numbers<[1], [0], [0], [1], [0, 0, 1, 1], [], []>, transpose_lhs_hint = false} : vector<1024x304xbf16>, vector<304x1024xbf16>, vector<1024x1024xf32> -> vector<1024x1024xf32>
    %add3A_40 = arith.addf %broadcast_in_dim3A_31, %dot_general3A_39 : vector<1024x1024xf32>
    %slice3A_41 = vector.extract_strided_slice %concatenate3A {offsets = [4, 0], sizes = [1024, 304], strides = [1, 1]} : vector<1032x304xbf16> to vector<1024x304xbf16>
    %get3A_42 = arith.constant 1 : index
    %get3A_43 = arith.constant 0 : index
    %get3A_44 = arith.constant 0 : index
    %get3A_45 = vector.load %arg3[%get3A_42, %get3A_43, %get3A_44] : memref<2x304x1024xbf16, #tpu.memory_space<vmem>>, vector<1x304x1024xbf16>
    %get3A_46 = vector.shape_cast %get3A_45 : vector<1x304x1024xbf16> to vector<304x1024xbf16>
    %dot_general3A_47 = arith.constant dense<0.000000e+00> : vector<1024x1024xf32>
    %dot_general3A_48 = tpu.matmul %slice3A_41, %get3A_46, %dot_general3A_47 {dimension_numbers = #tpu.dot_dimension_numbers<[1], [0], [0], [1], [0, 0, 1, 1], [], []>, transpose_lhs_hint = false} : vector<1024x304xbf16>, vector<304x1024xbf16>, vector<1024x1024xf32> -> vector<1024x1024xf32>
    %add3A_49 = arith.addf %add3A_40, %dot_general3A_48 : vector<1024x1024xf32>
    %broadcast_in_dim3A_50 = arith.constant 0.000000e+00 : f32
    %broadcast_in_dim3A_51 = vector.broadcast %broadcast_in_dim3A_50 : f32 to vector<1024x512xf32>
    %slice3A_52 = vector.extract_strided_slice %concatenate3A {offsets = [5, 0], sizes = [1024, 304], strides = [1, 1]} : vector<1032x304xbf16> to vector<1024x304xbf16>
    %get3A_53 = arith.constant 0 : index
    %get3A_54 = arith.constant 0 : index
    %get3A_55 = arith.constant 0 : index
    %get3A_56 = vector.load %arg4[%get3A_53, %get3A_54, %get3A_55] : memref<2x304x512xbf16, #tpu.memory_space<vmem>>, vector<1x304x512xbf16>
    %get3A_57 = vector.shape_cast %get3A_56 : vector<1x304x512xbf16> to vector<304x512xbf16>
    %dot_general3A_58 = arith.constant dense<0.000000e+00> : vector<1024x512xf32>
    %dot_general3A_59 = tpu.matmul %slice3A_52, %get3A_57, %dot_general3A_58 {dimension_numbers = #tpu.dot_dimension_numbers<[1], [0], [0], [1], [0, 0, 1, 1], [], []>, transpose_lhs_hint = false} : vector<1024x304xbf16>, vector<304x512xbf16>, vector<1024x512xf32> -> vector<1024x512xf32>
    %add3A_60 = arith.addf %broadcast_in_dim3A_51, %dot_general3A_59 : vector<1024x512xf32>
    %slice3A_61 = vector.extract_strided_slice %concatenate3A {offsets = [6, 0], sizes = [1024, 304], strides = [1, 1]} : vector<1032x304xbf16> to vector<1024x304xbf16>
    %get3A_62 = arith.constant 1 : index
    %get3A_63 = arith.constant 0 : index
    %get3A_64 = arith.constant 0 : index
    %get3A_65 = vector.load %arg4[%get3A_62, %get3A_63, %get3A_64] : memref<2x304x512xbf16, #tpu.memory_space<vmem>>, vector<1x304x512xbf16>
    %get3A_66 = vector.shape_cast %get3A_65 : vector<1x304x512xbf16> to vector<304x512xbf16>
    %dot_general3A_67 = arith.constant dense<0.000000e+00> : vector<1024x512xf32>
    %dot_general3A_68 = tpu.matmul %slice3A_61, %get3A_66, %dot_general3A_67 {dimension_numbers = #tpu.dot_dimension_numbers<[1], [0], [0], [1], [0, 0, 1, 1], [], []>, transpose_lhs_hint = false} : vector<1024x304xbf16>, vector<304x512xbf16>, vector<1024x512xf32> -> vector<1024x512xf32>
    %add3A_69 = arith.addf %add3A_60, %dot_general3A_68 : vector<1024x512xf32>
    %get3A_70 = arith.constant 0 : index
    %get3A_71 = arith.constant 0 : index
    %get3A_72 = vector.load %arg5[%get3A_70, %get3A_71] : memref<1x1536xf32, #tpu.memory_space<vmem>>, vector<1x1536xf32>
    %get3A_73 = vector.shape_cast %get3A_72 : vector<1x1536xf32> to vector<1536xf32>
    %slice3A_74 = vector.extract_strided_slice %add3A_29 {offsets = [0, 0], sizes = [1024, 512], strides = [1, 1]} : vector<1024x1536xf32> to vector<1024x512xf32>
    %slice3A_75 = vector.extract_strided_slice %get3A_73 {offsets = [0], sizes = [512], strides = [1]} : vector<1536xf32> to vector<512xf32>
    %broadcast_in_dim3A_76 = vector.shape_cast %slice3A_75 : vector<512xf32> to vector<1x512xf32>
    %add3A_77 = vector.broadcast %broadcast_in_dim3A_76 : vector<1x512xf32> to vector<1024x512xf32>
    %add3A_78 = arith.addf %slice3A_74, %add3A_77 : vector<1024x512xf32>
    %slice3A_79 = vector.extract_strided_slice %add3A_29 {offsets = [0, 512], sizes = [1024, 512], strides = [1, 1]} : vector<1024x1536xf32> to vector<1024x512xf32>
    %slice3A_80 = vector.extract_strided_slice %add3A_49 {offsets = [0, 0], sizes = [1024, 512], strides = [1, 1]} : vector<1024x1024xf32> to vector<1024x512xf32>
    %add3A_81 = arith.addf %slice3A_79, %slice3A_80 : vector<1024x512xf32>
    %slice3A_82 = vector.extract_strided_slice %get3A_73 {offsets = [512], sizes = [512], strides = [1]} : vector<1536xf32> to vector<512xf32>
    %broadcast_in_dim3A_83 = vector.shape_cast %slice3A_82 : vector<512xf32> to vector<1x512xf32>
    %add3A_84 = vector.broadcast %broadcast_in_dim3A_83 : vector<1x512xf32> to vector<1024x512xf32>
    %add3A_85 = arith.addf %add3A_81, %add3A_84 : vector<1024x512xf32>
    %slice3A_86 = vector.extract_strided_slice %add3A_29 {offsets = [0, 1024], sizes = [1024, 512], strides = [1, 1]} : vector<1024x1536xf32> to vector<1024x512xf32>
    %slice3A_87 = vector.extract_strided_slice %add3A_49 {offsets = [0, 512], sizes = [1024, 512], strides = [1, 1]} : vector<1024x1024xf32> to vector<1024x512xf32>
    %add3A_88 = arith.addf %slice3A_86, %slice3A_87 : vector<1024x512xf32>
    %add3A_89 = arith.addf %add3A_88, %add3A_69 : vector<1024x512xf32>
    %slice3A_90 = vector.extract_strided_slice %get3A_73 {offsets = [1024], sizes = [512], strides = [1]} : vector<1536xf32> to vector<512xf32>
    %broadcast_in_dim3A_91 = vector.shape_cast %slice3A_90 : vector<512xf32> to vector<1x512xf32>
    %add3A_92 = vector.broadcast %broadcast_in_dim3A_91 : vector<1x512xf32> to vector<1024x512xf32>
    %add3A_93 = arith.addf %add3A_89, %add3A_92 : vector<1024x512xf32>
    %iota3A = tpu.iota {dimensions = array<i32: 0>} : vector<1024x1xi32>
    %jit3A = arith.constant 512 : i32
    %eq3A = arith.constant 0 : i32
    %eq3A_94 = arith.cmpi eq, %jit3A, %eq3A : i32
    %jit3A_95 = arith.constant 1 : i32
    %select_n3A = arith.select %eq3A_94, %jit3A_95, %jit3A : i32
    %rem3A = vector.broadcast %select_n3A : i32 to vector<1024x1xi32>
    %rem3A_96 = arith.remsi %iota3A, %rem3A : vector<1024x1xi32>
    %ne3A = arith.constant 0 : i32
    %ne3A_97 = vector.broadcast %ne3A : i32 to vector<1024x1xi32>
    %ne3A_98 = arith.cmpi ne, %rem3A_96, %ne3A_97 : vector<1024x1xi32>
    %lt3A = arith.constant 0 : i32
    %lt3A_99 = vector.broadcast %lt3A : i32 to vector<1024x1xi32>
    %lt3A_100 = arith.cmpi slt, %rem3A_96, %lt3A_99 : vector<1024x1xi32>
    %lt3A_101 = arith.constant 0 : i32
    %lt3A_102 = arith.cmpi slt, %select_n3A, %lt3A_101 : i32
    %ne3A_103 = vector.broadcast %lt3A_102 : i1 to vector<1024x1xi1>
    %ne3A_104 = vector.broadcast %ne3A_103 : vector<1024x1xi1> to vector<1024x1xi1>
    %ne3A_105 = arith.xori %lt3A_100, %ne3A_104 : vector<1024x1xi1>
    %and3A = arith.andi %ne3A_105, %ne3A_98 : vector<1024x1xi1>
    %add3A_106 = vector.broadcast %select_n3A : i32 to vector<1024x1xi32>
    %add3A_107 = arith.addi %rem3A_96, %add3A_106 : vector<1024x1xi32>
    %select_n3A_108 = arith.select %and3A, %add3A_107, %rem3A_96 : vector<1024x1xi1>, vector<1024x1xi32>
    %le3A = arith.constant 509 : i32
    %le3A_109 = vector.broadcast %le3A : i32 to vector<1024x1xi32>
    %le3A_110 = arith.cmpi sle, %select_n3A_108, %le3A_109 : vector<1024x1xi32>
    %max3A = arith.constant 0.000000e+00 : f32
    %max3A_111 = vector.broadcast %max3A : f32 to vector<1024x512xf32>
    %max3A_112 = arith.maximumf %add3A_78, %max3A_111 : vector<1024x512xf32>
    %jit3A_113 = arith.constant 0.000000e+00 : f32
    %broadcast_in_dim3A_114 = vector.shape_cast %le3A_110 : vector<1024x1xi1> to vector<1024x1xi1>
    %broadcast_in_dim3A_115 = vector.broadcast %broadcast_in_dim3A_114 : vector<1024x1xi1> to vector<1024x512xi1>
    %broadcast_in_dim3A_116 = vector.broadcast %jit3A_113 : f32 to vector<1024x512xf32>
    %select_n3A_117 = arith.select %broadcast_in_dim3A_115, %max3A_112, %broadcast_in_dim3A_116 : vector<1024x512xi1>, vector<1024x512xf32>
    %reshape3A_118 = vector.shape_cast %select_n3A_117 : vector<1024x512xf32> to vector<2x512x512xf32>
    %reduce_max3A = arith.constant dense<0xFF800000> : vector<2x512xf32>
    %reduce_max3A_119 = vector.multi_reduction <maximumf>, %reshape3A_118, %reduce_max3A [1] : vector<2x512x512xf32> to vector<2x512xf32>
    %le3A_120 = arith.constant 507 : i32
    %le3A_121 = vector.broadcast %le3A_120 : i32 to vector<1024x1xi32>
    %le3A_122 = arith.cmpi sle, %select_n3A_108, %le3A_121 : vector<1024x1xi32>
    %max3A_123 = arith.constant 0.000000e+00 : f32
    %max3A_124 = vector.broadcast %max3A_123 : f32 to vector<1024x512xf32>
    %max3A_125 = arith.maximumf %add3A_85, %max3A_124 : vector<1024x512xf32>
    %jit3A_126 = arith.constant 0.000000e+00 : f32
    %broadcast_in_dim3A_127 = vector.shape_cast %le3A_122 : vector<1024x1xi1> to vector<1024x1xi1>
    %broadcast_in_dim3A_128 = vector.broadcast %broadcast_in_dim3A_127 : vector<1024x1xi1> to vector<1024x512xi1>
    %broadcast_in_dim3A_129 = vector.broadcast %jit3A_126 : f32 to vector<1024x512xf32>
    %select_n3A_130 = arith.select %broadcast_in_dim3A_128, %max3A_125, %broadcast_in_dim3A_129 : vector<1024x512xi1>, vector<1024x512xf32>
    %reshape3A_131 = vector.shape_cast %select_n3A_130 : vector<1024x512xf32> to vector<2x512x512xf32>
    %reduce_max3A_132 = arith.constant dense<0xFF800000> : vector<2x512xf32>
    %reduce_max3A_133 = vector.multi_reduction <maximumf>, %reshape3A_131, %reduce_max3A_132 [1] : vector<2x512x512xf32> to vector<2x512xf32>
    %le3A_134 = arith.constant 505 : i32
    %le3A_135 = vector.broadcast %le3A_134 : i32 to vector<1024x1xi32>
    %le3A_136 = arith.cmpi sle, %select_n3A_108, %le3A_135 : vector<1024x1xi32>
    %max3A_137 = arith.constant 0.000000e+00 : f32
    %max3A_138 = vector.broadcast %max3A_137 : f32 to vector<1024x512xf32>
    %max3A_139 = arith.maximumf %add3A_93, %max3A_138 : vector<1024x512xf32>
    %jit3A_140 = arith.constant 0.000000e+00 : f32
    %broadcast_in_dim3A_141 = vector.shape_cast %le3A_136 : vector<1024x1xi1> to vector<1024x1xi1>
    %broadcast_in_dim3A_142 = vector.broadcast %broadcast_in_dim3A_141 : vector<1024x1xi1> to vector<1024x512xi1>
    %broadcast_in_dim3A_143 = vector.broadcast %jit3A_140 : f32 to vector<1024x512xf32>
    %select_n3A_144 = arith.select %broadcast_in_dim3A_142, %max3A_139, %broadcast_in_dim3A_143 : vector<1024x512xi1>, vector<1024x512xf32>
    %reshape3A_145 = vector.shape_cast %select_n3A_144 : vector<1024x512xf32> to vector<2x512x512xf32>
    %reduce_max3A_146 = arith.constant dense<0xFF800000> : vector<2x512xf32>
    %reduce_max3A_147 = vector.multi_reduction <maximumf>, %reshape3A_145, %reduce_max3A_146 [1] : vector<2x512x512xf32> to vector<2x512xf32>
    %concatenate3A_148 = tpu.concatenate %reduce_max3A_119, %reduce_max3A_133, %reduce_max3A_147 in 1 : vector<2x512xf32>, vector<2x512xf32>, vector<2x512xf32> -> vector<2x1536xf32>
    %swap3A = arith.constant 0 : index
    %swap3A_149 = arith.constant 0 : index
    %swap3A_150 = arith.constant 0 : index
    %swap3A_151 = vector.load %arg6[%swap3A, %swap3A_149, %swap3A_150] : memref<2x1x1536xf32, #tpu.memory_space<vmem>>, vector<2x1x1536xf32>
    %swap3A_152 = vector.shape_cast %swap3A_151 : vector<2x1x1536xf32> to vector<2x1536xf32>
    %swap3A_153 = vector.shape_cast %concatenate3A_148 : vector<2x1536xf32> to vector<2x1x1536xf32>
    tpu.vector_store %arg6[%swap3A, %swap3A_149, %swap3A_150], %swap3A_153 {strides = array<i32>} : memref<2x1x1536xf32, #tpu.memory_space<vmem>>, vector<2x1x1536xf32>,
    return
  }
  func.func @transform_0(%arg0: i32) -> (i32, i32, i32) {
    %c0_i32 = arith.constant 0 : i32
    %c0_i32_0 = arith.constant 0 : i32
    %c0_i32_1 = arith.constant 0 : i32
    return %arg0, %c0_i32, %c0_i32_0 : i32, i32, i32
  }
  func.func @transform_1(%arg0: i32) -> (i32, i32, i32) {
    %c0_i32 = arith.constant 0 : i32
    %c0_i32_0 = arith.constant 0 : i32
    %c0_i32_1 = arith.constant 0 : i32
    %c0_i32_2 = arith.constant 0 : i32
    return %c0_i32, %c0_i32_0, %c0_i32_1 : i32, i32, i32
  }
  func.func @transform_2(%arg0: i32) -> (i32, i32, i32) {
    %c0_i32 = arith.constant 0 : i32
    %c0_i32_0 = arith.constant 0 : i32
    %c0_i32_1 = arith.constant 0 : i32
    %c0_i32_2 = arith.constant 0 : i32
    return %c0_i32, %c0_i32_0, %c0_i32_1 : i32, i32, i32
  }
  func.func @transform_3(%arg0: i32) -> (i32, i32, i32) {
    %c0_i32 = arith.constant 0 : i32
    %c0_i32_0 = arith.constant 0 : i32
    %c0_i32_1 = arith.constant 0 : i32
    %c0_i32_2 = arith.constant 0 : i32
    return %c0_i32, %c0_i32_0, %c0_i32_1 : i32, i32, i32
  }
  func.func @transform_4(%arg0: i32) -> (i32, i32) {
    %c0_i32 = arith.constant 0 : i32
    %c0_i32_0 = arith.constant 0 : i32
    %c0_i32_1 = arith.constant 0 : i32
    return %c0_i32, %c0_i32_0 : i32, i32
  }
  func.func @transform_5(%arg0: i32) -> (i32, i32, i32) {
    %c0_i32 = arith.constant 0 : i32
    %c0_i32_0 = arith.constant 0 : i32
    %c0_i32_1 = arith.constant 0 : i32
    return %arg0, %c0_i32, %c0_i32_0 : i32, i32, i32
  }
}

module attributes {stable_mosaic.version = 14 : i64} {
  func.func @_linear_body(%arg0: memref<64x1536xf32, #tpu.memory_space<vmem>>, %arg1: memref<1536x100xf32, #tpu.memory_space<vmem>>, %arg2: memref<1x100xf32, #tpu.memory_space<vmem>>, %arg3: memref<64x100xf32, #tpu.memory_space<vmem>>) attributes {dimension_semantics = [], scalar_prefetch = 0 : i64, scratch_operands = 0 : i64, tpu.core_type = #tpu.core_type<tc>} {
    %get3A = arith.constant 0 : index
    %get3A_0 = arith.constant 0 : index
    %get3A_1 = vector.load %arg0[%get3A, %get3A_0] : memref<64x1536xf32, #tpu.memory_space<vmem>>, vector<64x1536xf32>
    %get3A_2 = arith.constant 0 : index
    %get3A_3 = arith.constant 0 : index
    %get3A_4 = vector.load %arg1[%get3A_2, %get3A_3] : memref<1536x100xf32, #tpu.memory_space<vmem>>, vector<1536x100xf32>
    %dot_general3A = arith.constant dense<0.000000e+00> : vector<64x100xf32>
    %dot_general3A_5 = tpu.matmul %get3A_1, %get3A_4, %dot_general3A {dimension_numbers = #tpu.dot_dimension_numbers<[1], [0], [0], [1], [0, 0, 1, 1], [], []>, transpose_lhs_hint = false} : vector<64x1536xf32>, vector<1536x100xf32>, vector<64x100xf32> -> vector<64x100xf32>
    %get3A_6 = arith.constant 0 : index
    %get3A_7 = arith.constant 0 : index
    %get3A_8 = vector.load %arg2[%get3A_6, %get3A_7] : memref<1x100xf32, #tpu.memory_space<vmem>>, vector<1x100xf32>
    %get3A_9 = vector.shape_cast %get3A_8 : vector<1x100xf32> to vector<100xf32>
    %broadcast_in_dim3A = vector.shape_cast %get3A_9 : vector<100xf32> to vector<1x100xf32>
    %add3A = vector.broadcast %broadcast_in_dim3A : vector<1x100xf32> to vector<64x100xf32>
    %add3A_10 = arith.addf %dot_general3A_5, %add3A : vector<64x100xf32>
    %swap3A = arith.constant 0 : index
    %swap3A_11 = arith.constant 0 : index
    %swap3A_12 = vector.load %arg3[%swap3A, %swap3A_11] : memref<64x100xf32, #tpu.memory_space<vmem>>, vector<64x100xf32>
    tpu.vector_store %arg3[%swap3A, %swap3A_11], %add3A_10 {strides = array<i32>} : memref<64x100xf32, #tpu.memory_space<vmem>>, vector<64x100xf32>,
    return
  }
}

</mosaic_0001>

<sc_bundles>
// kernel: kernel.5.cloned.1.call-start
scs
__scs_entry_jumppad:
0x0: {  	(pc) =	sbr.rel $0x88, $3  }
0x1: {  	(tag) =	ssettag $0x0;
	lr =	simm.s32 $0x1  }
0x2: {  	[smem:$0x3F97] =	sst lr;
	_ =	strace $0xD0000000  }
0x3: {  	_ = 	snop  }
0x4: {  	_ = 	snop  }
0x5: {  	_ = 	snop  }
0x6: {  	_ = 	snop  }
0x7: {  	_ = 	snop  }
__scs_overlays_trampoline_lowered:
0x8: {  	[smem:$0x3FA6] =	sst s0  }
0x9: {  	[smem:$0x3FA7] =	sst s1  }
0xa: {  	[smem:$0x3FA8] =	sst s2  }
0xb: {  	[smem:$0x3FA9] =	sst s3  }
0xc: {  	[smem:$0x3FAA] =	sst s4  }
0xd: {  	[smem:$0x3FAB] =	sst s5  }
0xe: {  	[smem:$0x3FAC] =	sst s6  }
0xf: {  	[smem:$0x3FAD] =	sst s7  }
0x10: {  	[smem:$0x3FAE] =	sst s8  }
0x11: {  	[smem:$0x3FAF] =	sst s9;
	s0 =	simm.s32 @!p0 $0x0  }
0x12: {  	s1 =	sld [smem:$0x3F95];
	s0 =	simm.s32 @p0 $0x1  }
0x13: {  	[smem:$0x3FB0] =	sst s0;
	s0 =	simm.s32 @!p1 $0x0  }
0x14: {  	s2 =	sld [smem:$0x3F94];
	s0 =	simm.s32 @p1 $0x1  }
0x15: {  	[smem:$0x3FB1] =	sst s0;
	s0 =	simm.s32 @!p2 $0x0  }
0x16: {  	s3 =	sld [smem:$0x3FDB];
	s0 =	simm.s32 @p2 $0x1  }
0x17: {  	s4 =	simm.s32 $0x1BF5;
	[smem:$0x3FB3] =	sst s0  }
0x18: {  	s0 =	sld [smem:$0x3F96];
	_ =	swait.ge [sflag:s4], $0x0  }
0x19: {  	s7 =	sld [smem:$0x3F97]  }
0x1a: {  	s8 =	sadd.s32 $0xFFFFE003, lr  }
0x1b: {  	s9 =	sadd.s32 $0xFFFFFEF7, lr;
	s5 =	simm.s32 $0xFFFFFFFF;
	p2 =	slt.u32 s8, $0xFFFFF086  }
0x1c: {  	p1 =	slt.u32 s9, $0xF7A;
	s5 =	simm.s32 @!p2 $0x0  }
0x1d: {  	s5 =	simm.s32 @p1 $0x1;
	p0 =	seq.s32 s7, s2  }
0x1e: {  	s7 =	smul.u32 @!p0 $0xF7A, s2;
	p2 =	seq.s32 @!p0 s5, $0x0  }
0x1f: {  	s9 =	smul.u32 $0xF7A, s1;
	s8 =	simm.s32 @!p0 $0x1BF5;
	p2 =	por !p2, p0  }
0x20: {  	[sflag:s8] =	ssyncset.s32 @!p0 $0xFFFFF086;
	s6 =	sadd.s32 @!p0 s3, s7;
	s7 =	simm.s32 @!p0 $0x108  }
0x21: {  	s3 =	sadd.s32 s3, s9;
	s6 =	sadd.s32 @!p0 $0x88, s6;
	s7 =	simm.s32 @p2 $0x1082  }
0x22: {  	[simem:s7], [sflag:s8] =	dma.local @!p0 [hbm:s6], $0xF7A  }
0x23: {  	s9 =	sor.u32 $0xD0000000, s2;
	s6 =	simm.s32 $0x108;
	_ =	swait.ge @!p0 [sflag:s8], $0x0  }
0x24: {  	s3 =	sadd.s32 $0x88, s3;
	s6 =	simm.s32 @!p1 $0x1082;
	[sflag:s4] =	ssyncset.s32 $0xFFFFF086  }
0x25: {  	[simem:s6], [sflag:s4] =	dma.local [hbm:s3], $0xF7A  }
0x26: {  	[smem:$0x3F97] =	sst s1;
	(tag) =	ssettag s2;
	_ =	strace s9  }
0x27: {  	s1 =	sld [smem:$0x3FA7]  }
0x28: {  	s2 =	sld [smem:$0x3FA8]  }
0x29: {  	s4 =	sld [smem:$0x3FAA]  }
0x2a: {  	p0 =	seq.s32 s5, $0x0;
	s5 =	sld [smem:$0x3FAB]  }
0x2b: {  	s6 =	sld [smem:$0x3FAC]  }
0x2c: {  	s7 =	sld [smem:$0x3FAD]  }
0x2d: {  	s3 =	simm.s32 $0x108;
	s8 =	sld [smem:$0x3FAE]  }
0x2e: {  	s3 =	simm.s32 @!p0 $0x1082;
	s9 =	sld [smem:$0x3FAF]  }
0x2f: {  	lr =	sadd.s32 s0, s3;
	s0 =	sld [smem:$0x3FA6]  }
0x30: {  	s3 =	sld [smem:$0x3FA9]  }
0x31: {  	[smem:$0x3FB2] =	sst s10  }
0x32: {  	s10 =	sld [smem:$0x3FB0];
	_ =	sdelay $0x3  }
0x33: {  	p0 =	seq.s32 s10, $0x1;
	s10 =	sld [smem:$0x3FB2];
	_ =	sdelay $0x3  }
0x34: {  	[smem:$0x3FB2] =	sst s10  }
0x35: {  	s10 =	sld [smem:$0x3FB1];
	_ =	sdelay $0x3  }
0x36: {  	p1 =	seq.s32 s10, $0x1;
	s10 =	sld [smem:$0x3FB2];
	_ =	sdelay $0x3  }
0x37: {  	[smem:$0x3FB2] =	sst s10  }
0x38: {  	s10 =	sld [smem:$0x3FB3]  }
0x39: {  	_ = 	snop;
	(pc) =	sbr.ind lr, $3  }
0x3a: {  	_ = 	snop  }
0x3b: {  	_ = 	snop  }
0x3c: {  	p2 =	seq.s32 s10, $0x1;
	s10 =	sld [smem:$0x3FB2]  }
0x3d: {  	_ =	shalt  }
0x3e: {  	_ =	shalt  }
0x3f: {  	_ =	shalt  }
0x40: {  	_ =	shalt  }
0x41: {  	_ =	shalt  }
0x42: {  	_ =	shalt  }
0x43: {  	_ =	shalt  }
0x44: {  	_ =	shalt  }
0x45: {  	_ =	shalt  }
0x46: {  	_ =	shalt  }
0x47: {  	_ =	shalt  }
0x48: {  	_ =	shalt  }
0x49: {  	_ =	shalt  }
0x4a: {  	_ =	shalt  }
0x4b: {  	_ =	shalt  }
0x4c: {  	_ =	shalt  }
0x4d: {  	_ =	shalt  }
0x4e: {  	_ =	shalt  }
0x4f: {  	_ =	shalt  }
0x50: {  	_ =	shalt  }
0x51: {  	_ =	shalt  }
0x52: {  	_ =	shalt  }
0x53: {  	_ =	shalt  }
0x54: {  	_ =	shalt  }
0x55: {  	_ =	shalt  }
0x56: {  	_ =	shalt  }
0x57: {  	_ =	shalt  }
0x58: {  	_ =	shalt  }
0x59: {  	_ =	shalt  }
0x5a: {  	_ =	shalt  }
0x5b: {  	_ =	shalt  }
0x5c: {  	_ =	shalt  }
0x5d: {  	_ =	shalt  }
0x5e: {  	_ =	shalt  }
0x5f: {  	_ =	shalt  }
0x60: {  	_ =	shalt  }
0x61: {  	_ =	shalt  }
0x62: {  	_ =	shalt  }
0x63: {  	_ =	shalt  }
0x64: {  	_ =	shalt  }
0x65: {  	_ =	shalt  }
0x66: {  	_ =	shalt  }
0x67: {  	_ =	shalt  }
0x68: {  	_ =	shalt  }
0x69: {  	_ =	shalt  }
0x6a: {  	_ =	shalt  }
0x6b: {  	_ =	shalt  }
0x6c: {  	_ =	shalt  }
0x6d: {  	_ =	shalt  }
0x6e: {  	_ =	shalt  }
0x6f: {  	_ =	shalt  }
0x70: {  	_ =	shalt  }
0x71: {  	_ =	shalt  }
0x72: {  	_ =	shalt  }
0x73: {  	_ =	shalt  }
0x74: {  	_ =	shalt  }
0x75: {  	_ =	shalt  }
0x76: {  	_ =	shalt  }
0x77: {  	_ =	shalt  }
0x78: {  	_ =	shalt  }
0x79: {  	_ =	shalt  }
0x7a: {  	_ =	shalt  }
0x7b: {  	_ =	shalt  }
0x7c: {  	_ =	shalt  }
0x7d: {  	_ =	shalt  }
0x7e: {  	_ =	shalt  }
0x7f: {  	_ =	shalt  }
0x80: {  	_ =	shalt  }
0x81: {  	_ =	shalt  }
0x82: {  	_ =	shalt  }
0x83: {  	_ =	shalt  }
0x84: {  	_ =	shalt  }
0x85: {  	_ =	shalt  }
0x86: {  	_ =	shalt  }
0x87: {  	_ =	shalt  }
.Lfunc_end0:
.L_simem_size_0:
called_computation_lowered:
.L_overlay_start_0:
0x88: {  	s2 =	sld [smem:$0x3FD9]  }
0x89: {  	s3 =	sld [smem:$0x3FFE];
	_ =	sdelay $0x1  }
0x8a: {  	s1 =	srdreg.scid  }
0x8b: {  	s0 =	sand.u32 $0x1, s1  }
0x8c: {  	s16 =	sshll.u32 s0, $0xA;
	s2 =	sadd.s32 s3, s2  }
0x8d: {  	s2 =	sadd.s32 s2, s16  }
0x8e: {  	[smem:$0x3FBE] =	sst s2  }
0x8f: {  	_ = 	snop  }
0x90: {  	(tm) =	ssettm $0x1  }
0x91: {  	s17 =	sld [smem:$0x3FFB];
	_ =	sdelay $0x3  }
0x92: {  	_ =	strace s17  }
0x93: {  	s2 =	sld [smem:$0x3FFC];
	_ =	sdelay $0x3  }
0x94: {  	_ =	strace s2  }
0x95: {  	s2 =	sld [smem:$0x3FFD];
	_ =	sdelay $0x3  }
0x96: {  	_ =	strace s2  }
0x97: {  	_ =	strace $0x8FFFFFFF  }
0x98: {  	s18 =	sld [smem:$0x3FDB];
	_ =	sdelay $0x1  }
0x99: {  	s19 =	simm.s32 $_scs_section_size  }
0x9a: {  	s4 =	simm.s32 $_size__tile_overlayer_lowered;
	s5 =	simm.s32 $_tile_overlayer_lowered  }
0x9b: {  	s22 =	simm.s32 $0x1BFF;
	s21 =	sshll.u32 s5, $0x1;
	s2 =	sadd.s32 s19, s18  }
0x9c: {  	s6 =	simm.s32 $0x0;
	s20 =	sshll.u32 s4, $0x1;
	s4 =	sadd.s32 s21, s2  }
0x9d: {  	[timem:s6], [sflag:s22] =	dma.local [hbm:s4], s20  }
0x9e: {  	_ =	swait.ge [sflag:s22], s20  }
0x9f: {  	s3 =	ssub.s32 $0x0, s20;
	[sflag:s22] =	ssyncset.done $0x0  }
0xa0: {  	[sflag:s22] =	ssyncadd.s32 s3;
	_ =	sdelay $0x1  }
0xa1: {  	s23 =	simm.s32 $0x1B8B  }
0xa2: {  	_ =	swait.ge [sflag:s23], $0x1  }
0xa3: {  	[sflag:s23] =	ssyncset.done $0x0  }
0xa4: {  	s25 =	simm.s32 $0x1B8E;
	s24 =	sld [smem:$0x3FFE];
	[sflag:s23] =	ssyncadd.s32 $0xFFFFFFFF  }
0xa5: {  	s26 =	simm.s32 $execute0_lowered;
	[smem:$0x3FD2] =	sst s25  }
0xa6: {  	s4 =	sshll.u32 s26, $0x1;
	_ =	strace $0x80000046;
	[dreg:$0x1] =	wrdreg $0xFFFFFFFF  }
0xa7: {  	s28 =	simm.s32 $_size_execute0_lowered;
	s2 =	sadd.s32 s2, s4;
	[dreg:$0x0] =	wrdreg $0x0  }
0xa8: {  	s4 =	sshll.u32 s28, $0x1;
	[dreg:$0x2] =	wrdreg s2  }
0xa9: {  	[dreg:$0x3] =	wrdreg s4  }
0xaa: {  	[dreg:$0x4] =	wrdreg $0xC0  }
0xab: {  	_ =	task [dreg:s6], $0x5FFFF  }
0xac: {  	[dreg:$0x1] =	wrdreg $0xFFFFFFFF  }
0xad: {  	[dreg:$0x0] =	wrdreg $0x60  }
0xae: {  	[dreg:$0x2] =	wrdreg s24  }
0xaf: {  	[dreg:$0x3] =	wrdreg $0x9  }
0xb0: {  	_ =	task.clear_ibuf [dreg:s6], $0x4FFFF;
	_ =	strace $0x90000046  }
0xb1: {  	s29 =	simm.s32 $0x9;
	_ =	strace $0x80000048  }
0xb2: {  	_ =	swait.ge [sflag:s29], $0x1  }
0xb3: {  	[sflag:s29] =	ssyncadd.s32 $0xFFFFFFFF  }
0xb4: {  	_ =	strace $0x90000048  }
0xb5: {  	_ =	sfence  }
0xb6: {  	s30 =	sld [smem:$0x0];
	_ =	sdelay $0x2  }
0xb7: {  	s31 =	sshll.u32 s1, $0xD;
	s1 =	sshrl.u32 s1, $0x2  }
0xb8: {  	s3 =	sand.u32 $0x4000, s31;
	s1 =	sadd.s32 s1, s30  }
0xb9: {  	s0 =	sor.u32 s3, s0;
	s1 =	sshll.u32 s1, $0x11  }
0xba: {  	s0 =	sor.u32 s1, s0  }
0xbb: {  	s0 =	sadd.s32 $0x8F2B, s0  }
0xbc: {  	[sflag:s0] =	ssyncadd.remote.s32 $0x1  }
0xbd: {  	_ =	sfence.sel $0xFFFF  }
0xbe: {  	[dreg:$0x0] =	wrdreg $0xFFFFFFFF;
	(pc) =	sbr.abs _section_cstart, $3  }
0xbf: {  	[dreg:$0x1] =	wrdreg $0xFFFFFFFF  }
0xc0: {  	_ =	task.clear_ibuf [dreg:s6], $0x2FFFF;
	_ =	strace $0x9FFFFFFF  }
0xc1: {  	(tm) =	ssettm $0x7FFFFFFF  }
tec
execute0_lowered:
.L_overlay_start_1:
0x0: {  	(tag) =	ssettag $0x1  }
0x1: {  	s4 =	rddreg [dreg:$0x0]  }
0x2: {  	s0 =	rddreg [dreg:$0x1];
	s2 =	simm.s32 $0x0;
	s5 =	srdreg.scid  }
0x3: {  	s1 =	stileid.u32;
	s10 =	simm.s32 $0x0;
	[smem:$0x7FF] =	sst s2  }
0x4: {  	s3 =	sadd.s32 $0x1E00, s4;
	s5 =	sand.u32 $0x1, s5;
	s6 =	sshll.u32 s1, $0xB  }
0x5: {  	s8 =	smul.u32 $0x13000, s1;
	_ =	strace $0x80000047;
	s7 =	sshll.u32 s5, $0xA  }
0x6: {  	s9 =	ssub.s32 $0x2, s5;
	s5 =	smul.u32 $0x9800, s5;
	s6 =	sor.u32 s7, s6  }
0x7: {  	s30 =	sshrl.u32 s9, $0x1;
	s8 =	sadd.s32 s8, s4;
	s6 =	sshrl.u32 s6, $0x3  }
0x8: {  	s7 =	ssub.s32 s9, s30;
	s31 =	sadd.s32 s5, s8;
	s8 =	simm.s32 $0x80  }
0x9: {  	s9 =	simm.s32 $0x1;
	s6 =	sadd.s32 s6, s4;
	s4 =	smax.u32 s7, $0x1  }
0xa: {  	s7 =	simm.s32 $0x2;
	s5 =	sadd.s32 $0x3A1A00, s6;
	s6 =	sadd.s32 $0x3A2A00, s31  }
.LBB2_1:
0xb: {  	s11 =	sadd.s32 $0x0, s5  }
0xc: {  	[tilespmem:s2], [sflag:$0x2] =	stream.linear.gather [hbm4b:s11+s2], $0x80, $0x38;
	[tilespmem:$0x9880] =	vst v63  }
0xd: {  	_ =	swait.ge [sflag:s7], $0x80  }
0xe: {  	[sflag:s7] =	ssyncset.done $0x0  }
0xf: {  	[sflag:s7] =	ssyncadd.s32 $0xFFFFFF80  }
0x10: {  	[tilespmem:s8], [sflag:$0x1] =	stream.indirect.gather [hbm4b:s3+s8], $0x130, s2, s8, $0xb8;
	[tilespmem:$0x9880] =	vst v63  }
0x11: {  	_ =	swait.ge [sflag:s9], $0x9800  }
0x12: {  	[sflag:s9] =	ssyncset.done $0x0  }
0x13: {  	[sflag:s9] =	ssyncadd.s32 $0xFFFF6800  }
0x14: {  	[hbm4b:s6+s2] =	stream.linear.scatter [tilespmem:s8], [sflag:$0x2], $0x9800, $0x38;
	[tilespmem:$0x9880] =	vst v63  }
0x15: {  	s12 =	simm.s32 $0x10;
	_ =	swait.ge [sflag:s7], $0x9800  }
0x16: {  	s13 =	simm.s32 $0x20;
	s11 =	sadd.s32 $0x1300, s6;
	[sflag:s7] =	ssyncset.done $0x0  }
.LBB2_2:
0x17: {  	s14 =	sadd.s32 s12, s5  }
0x18: {  	[sflag:s7] =	ssyncadd.s32 $0xFFFF6800;
	s12 =	smov.u32 s13;
	s15 =	sadd.s32 $0x10, s13  }
0x19: {  	[tilespmem:s2], [sflag:$0x2] =	stream.linear.gather [hbm4b:s14+s2], $0x80, $0x38;
	[tilespmem:$0x9880] =	vst v63  }
0x1a: {  	p0 =	sne.s32 s13, $0x70;
	_ =	swait.ge [sflag:s7], $0x80  }
0x1b: {  	[sflag:s7] =	ssyncset.done $0x0  }
0x1c: {  	[sflag:s7] =	ssyncadd.s32 $0xFFFFFF80  }
0x1d: {  	[tilespmem:s8], [sflag:$0x1] =	stream.indirect.gather [hbm4b:s3+s8], $0x130, s2, s8, $0xb8;
	[tilespmem:$0x9880] =	vst v63  }
0x1e: {  	_ =	swait.ge [sflag:s9], $0x9800  }
.Ltmp0:
0x1f: {  	[sflag:s9] =	ssyncset.done $0x0;
	(pc) =	sbr.rel @p0 .LBB2_2-.Ltmp0, $4  }
0x20: {  	[sflag:s9] =	ssyncadd.s32 $0xFFFF6800  }
0x21: {  	[hbm4b:s11+s2] =	stream.linear.scatter [tilespmem:s8], [sflag:$0x2], $0x9800, $0x38;
	[tilespmem:$0x9880] =	vst v63  }
0x22: {  	_ =	swait.ge [sflag:s7], $0x9800  }
0x23: {  	s13 =	smov.u32 s15;
	s11 =	sadd.s32 $0x1300, s11;
	[sflag:s7] =	ssyncset.done $0x0  }
0x24: {  	s12 =	sadd.s32 s12, s5;
	[sflag:s7] =	ssyncadd.s32 $0xFFFF6800  }
0x25: {  	[tilespmem:s2], [sflag:$0x2] =	stream.linear.gather [hbm4b:s12+s2], $0x80, $0x38;
	[tilespmem:$0x9880] =	vst v63  }
0x26: {  	_ =	swait.ge [sflag:s7], $0x80  }
0x27: {  	[sflag:s7] =	ssyncset.done $0x0  }
0x28: {  	[sflag:s7] =	ssyncadd.s32 $0xFFFFFF80  }
0x29: {  	[tilespmem:s8], [sflag:$0x1] =	stream.indirect.gather [hbm4b:s3+s8], $0x130, s2, s8, $0xb8;
	[tilespmem:$0x9880] =	vst v63  }
0x2a: {  	s10 =	sadd.s32 $0x1, s10;
	_ =	swait.ge [sflag:s9], $0x9800  }
0x2b: {  	p0 =	sne.s32 s10, s4;
	[sflag:s9] =	ssyncset.done $0x0  }
.Ltmp1:
0x2c: {  	[sflag:s9] =	ssyncadd.s32 $0xFFFF6800;
	(pc) =	sbr.rel @p0 .LBB2_1-.Ltmp1, $4  }
0x2d: {  	[hbm4b:s11+s2] =	stream.linear.scatter [tilespmem:s8], [sflag:$0x2], $0x9800, $0x38;
	[tilespmem:$0x9880] =	vst v63  }
0x2e: {  	_ =	swait.ge [sflag:s7], $0x9800  }
0x2f: {  	[sflag:s7] =	ssyncset.done $0x0  }
0x30: {  	[sflag:s7] =	ssyncadd.s32 $0xFFFF6800  }
0x31: {  	_ =	sfence.sel $0x180000  }
0x32: {  	[bflag:$0x0] =	sbarrier.arrive $0xFFFF  }
0x33: {  	p0 =	sne.s32 s1, $0x0;
	_ =	strace $0x90000047  }
0x34: {  	s0 =	sadd.s32 @!p0 $0x100000, s0;
	[bflag:$0x2] =	sbarrier.arrive $0xFFFF  }
0x35: {  	[sflag:s0] =	ssyncadd.tile.s32 @!p0 $0x1;
	_ =	shalt  }
.Lfunc_end2:
_tile_overlayer_lowered:
.L_overlay_start_2:
0x36: {  	(tag) =	ssettag $0x2  }
0x37: {  	s0 =	rddreg [dreg:$0x0];
	s2 =	stileid.u32  }
0x38: {  	s1 =	rddreg [dreg:$0x1];
	p0 =	sne.s32 s2, $0x0  }
0x39: {  	s3 =	rddreg [dreg:$0x2];
	[bflag:$0x3] =	sbarrier.arrive $0xFFFF;
	s2 =	simm.s32 @!p0 $0x1C02  }
0x3a: {  	[timem:s3], [sflag:s2] =	dma.local @!p0 [hbm:s0], s1  }
0x3b: {  	s0 =	simm.s32 @!p0 $0x2  }
0x3c: {  	_ =	swait.ge @!p0 [sflag:s0], s1  }
0x3d: {  	s1 =	ssub.s32 @!p0 $0x0, s1;
	[sflag:s0] =	ssyncset.done @!p0 $0x0  }
0x3e: {  	[sflag:s0] =	ssyncadd.s32 @!p0 s1  }
0x3f: {  	[bflag:$0x3] =	sbarrier.arrive $0xFFFF  }
0x40: {  	_ =	shalt  }

</sc_bundles>
